<compile_context>
chip_gen: v7x
topology: tpu7x:2x2x1
jax: 0.10.2.dev20260603
libtpu: 0.0.44.dev20260713+nightly
codegen_flags: <defaults>
</compile_context>

<pallas_src>
import functools

import jax
import jax.numpy as jnp
from jax import lax
from jax.experimental import pallas as pl
from jax.experimental.pallas import tpu as pltpu
from jax.experimental.pallas import tpu_sc as plsc

N, D, HW = 8, 32, 1024
C_IMG = 3
K = 8192
PT = 1024
P = N * HW
COMMITMENT_WEIGHT = 0.25
VQLOSS_WEIGHT = 1.0

SC_NC, SC_NS = 2, 16
SC_NW = SC_NC * SC_NS
ROWS_PER_W = P // SC_NW



def _argmin_body(lat_ref, cb_ref, idx_ref):
    latp = lat_ref[0]
    cb = cb_ref[...]
    c2 = jnp.sum(cb * cb, axis=1, keepdims=True)
    bh = (-0.5 * c2).astype(jnp.bfloat16).astype(jnp.float32)
    bl = -0.5 * c2 - bh
    cb_aug = jnp.concatenate([cb, bh, bl], axis=1)
    lat_aug = jnp.concatenate(
        [latp, jnp.ones((2, PT), jnp.float32)], axis=0)
    HPT = PT // 2
    for j in range(2):
        s = lax.dot_general(cb_aug, lat_aug[:, j * HPT:(j + 1) * HPT],
                            (((1,), (0,)), ((), ())),
                            preferred_element_type=jnp.float32,
                            precision=lax.Precision.DEFAULT)
        idx_ref[0, 0, pl.ds(j * HPT, HPT)] = jnp.argmax(s, axis=0).astype(jnp.int32)


def _nearest_indices(lat3, codebook):
    return pl.pallas_call(
        _argmin_body,
        grid=(N, HW // PT),
        in_specs=[
            pl.BlockSpec((1, D, PT), lambda n, j: (n, 0, j)),
            pl.BlockSpec((K, D), lambda n, j: (0, 0)),
        ],
        out_specs=pl.BlockSpec((1, 1, PT), lambda n, j: (n, 0, j)),
        out_shape=jax.ShapeDtypeStruct((N, 1, HW), jnp.int32),
    )(lat3, codebook)



def _sc_gather(idx_flat, codebook):
    mesh = plsc.VectorSubcoreMesh(core_axis_name="c", subcore_axis_name="s")

    @functools.partial(
        pl.kernel,
        mesh=mesh,
        compiler_params=pltpu.CompilerParams(use_tc_tiling_on_sc=False),
        out_type=jax.ShapeDtypeStruct((P, D), jnp.float32),
        scratch_types=[
            pltpu.VMEM((ROWS_PER_W,), jnp.int32),
            pltpu.VMEM((ROWS_PER_W, D), jnp.float32),
            pltpu.SemaphoreType.DMA,
        ],
    )
    def gather_kernel(idx_hbm, cb_hbm, out_hbm, idx_v, rows_v, sem):
        wid = lax.axis_index("s") * SC_NC + lax.axis_index("c")
        base = wid * ROWS_PER_W
        pltpu.sync_copy(idx_hbm.at[pl.ds(base, ROWS_PER_W)], idx_v)
        pltpu.async_copy(cb_hbm.at[idx_v], rows_v, sem).wait()
        pltpu.sync_copy(rows_v, out_hbm.at[pl.ds(base, ROWS_PER_W)])

    return gather_kernel(idx_flat, codebook)



def _loss_body(lat_ref, q_ref, tgt_ref, w_ref, b_ref,
               loss_ref, vq_ref, rec_ref):
    eye = (lax.broadcasted_iota(jnp.int32, (D, D), 0)
           == lax.broadcasted_iota(jnp.int32, (D, D), 1))
    w = w_ref[...]
    b = b_ref[...]
    cb_sum = jnp.float32(0.0)
    rec_sum = jnp.float32(0.0)
    for n in range(N):
        latn = lat_ref[n]
        qn = q_ref[pl.ds(n * HW, HW), :]
        m = lax.dot_general(latn, qn, (((1,), (0,)), ((), ())),
                            preferred_element_type=jnp.float32,
                            precision=lax.Precision.DEFAULT)
        cross = jnp.sum(jnp.where(eye, m, 0.0))
        cb_sum = cb_sum + jnp.sum(latn * latn) + jnp.sum(qn * qn) - 2.0 * cross
        out = lax.dot_general(w, qn, (((1,), (1,)), ((), ())),
                              preferred_element_type=jnp.float32,
                              precision=lax.Precision.DEFAULT) + b
        r = out - tgt_ref[n]
        rec_sum = rec_sum + jnp.sum(r * r)
    cb_mean = cb_sum / jnp.float32(P * D)
    vq = (VQLOSS_WEIGHT + VQLOSS_WEIGHT * COMMITMENT_WEIGHT) * cb_mean
    rec = rec_sum / jnp.float32(P * C_IMG)
    loss_ref[0, 0] = vq + rec
    vq_ref[0, 0] = vq
    rec_ref[0, 0] = rec


def _losses(lat3, q, tgt3, w_dec, b_dec2):
    smem_out = pl.BlockSpec(memory_space=pltpu.SMEM)
    return pl.pallas_call(
        _loss_body,
        in_specs=[pl.BlockSpec(memory_space=pltpu.VMEM)] * 5,
        out_specs=(smem_out, smem_out, smem_out),
        out_shape=(
            jax.ShapeDtypeStruct((1, 1), jnp.float32),
            jax.ShapeDtypeStruct((1, 1), jnp.float32),
            jax.ShapeDtypeStruct((1, 1), jnp.float32),
        ),
    )(lat3, q, tgt3, w_dec, b_dec2)


def kernel(latents, target, codebook, W_dec, b_dec):
    lat3 = latents.reshape(N, D, HW)
    tgt3 = target.reshape(N, C_IMG, HW)
    idx = _nearest_indices(lat3, codebook)
    q = _sc_gather(idx.reshape(P), codebook)
    loss, vq, rec = _losses(lat3, q, tgt3, W_dec, b_dec.reshape(C_IMG, 1))
    return (loss.reshape(()), vq.reshape(()), rec.reshape(()))

# --- scband reference (transcript-rebuilt; emitter-appended) ---
"""Pipeline reference for scband-vq-vaeloss-70274254897675 (READ-ONLY COPY).

The authoritative reference and input builder live on the scoring server;
editing this copy changes nothing except your own understanding.
"""

import jax, jax.numpy as jnp
import numpy as np

COMMITMENT_WEIGHT = 0.25
VQLOSS_WEIGHT = 1.0

def setup_inputs(seed: int = 0) -> dict:
    key = jax.random.key(seed)
    k1, k2, k3, k4 = jax.random.split(key, 4)
    latents = jax.random.normal(k1, (8, 32, 32, 32), dtype=jnp.float32)   # (N, d, H, W)
    target = jax.random.uniform(k2, (8, 3, 32, 32), dtype=jnp.float32)    # (N, C_img, H, W)
    codebook = jax.random.normal(k3, (8192, 32), dtype=jnp.float32)       # (K, d)
    W_dec = jax.random.normal(k4, (3, 32), dtype=jnp.float32) * 0.1       # 1x1 conv decoder weight
    b_dec = jnp.zeros((3,), dtype=jnp.float32)
    return {"latents": latents, "target": target, "codebook": codebook, "W_dec": W_dec, "b_dec": b_dec}

def _quantize(codebook, latents):
    # latents: (N, d, H, W) -> (N, H, W, d)
    lat = jnp.moveaxis(latents, 1, -1)
    # squared euclidean distances via expansion (equivalent argmin to vector_norm of difference,
    # avoids materializing the (N,H,W,K,d) broadcast tensor; distances only feed argmin so no grads flow)
    x2 = jnp.sum(lat * lat, axis=-1, keepdims=True)                 # (N,H,W,1)
    c2 = jnp.sum(codebook * codebook, axis=-1)                      # (K,)
    xc = jnp.einsum('nhwd,kd->nhwk', lat, codebook)                 # (N,H,W,K)
    d2 = x2 - 2.0 * xc + c2                                         # (N,H,W,K)
    encoding_indices = jnp.argmin(d2, axis=-1)                      # (N,H,W)
    Q_Z = jnp.take(codebook, encoding_indices, axis=0)              # (N,H,W,d) gather
    return jnp.moveaxis(Q_Z, -1, 1)                                 # (N,d,H,W)

def _decoder(q, W_dec, b_dec):
    # 1x1 conv: per-pixel linear d -> 3
    h = jnp.moveaxis(q, 1, -1)                                      # (N,H,W,d)
    out = jnp.einsum('nhwd,cd->nhwc', h, W_dec) + b_dec             # (N,H,W,3)
    return jnp.moveaxis(out, -1, 1)                                 # (N,3,H,W)

def reference(latents, target, codebook, W_dec, b_dec):
    Q_Z = _quantize(codebook, latents)
    codebook_loss = jnp.mean((Q_Z - jax.lax.stop_gradient(latents)) ** 2)
    commitment_loss = jnp.mean((latents - jax.lax.stop_gradient(Q_Z)) ** 2)
    vq_loss = codebook_loss + COMMITMENT_WEIGHT * commitment_loss
    # straight-through estimator
    q_st = latents + jax.lax.stop_gradient(Q_Z - latents)
    out = _decoder(q_st, W_dec, b_dec)
    reconstruction_loss = jnp.mean((out - target) ** 2)
    loss = VQLOSS_WEIGHT * vq_loss + reconstruction_loss
    return (loss, vq_loss, reconstruction_loss)

if __name__ == "__main__":
    import jax
    _d = setup_inputs()
    print(jax.jit(kernel)(*tuple(_d.values())))

</pallas_src>

<mosaic_0001>
#map = affine_map<(d0, d1) -> (0)>
#map1 = affine_map<(d0, d1) -> (0, 0)>
module attributes {stable_mosaic.version = 14 : i64} {
  func.func @gather_kernel(%arg0: i32, %arg1: i32, %arg2: memref<8192xi32, #tpu.memory_space<hbm>>, %arg3: memref<8192x32xf32, #tpu.memory_space<hbm>>, %arg4: memref<8192x32xf32, #tpu.memory_space<hbm>>, %arg5: memref<256xi32, #tpu.memory_space<vmem>>, %arg6: memref<256x32xf32, #tpu.memory_space<vmem>>, %arg7: memref<!tpu.dma_semaphore, #tpu.memory_space<semaphore_mem>>) attributes {dimension_semantics = [#tpu.dimension_semantics<core_parallel>, #tpu.dimension_semantics<subcore_parallel>], iteration_bounds = array<i64: 2, 16>, scalar_prefetch = 0 : i64, scratch_operands = 3 : i64, tpu.core_type = #tpu.core_type<sc_vector_subcore>, window_params = [{transform_indices = #map}, {transform_indices = #map1}, {transform_indices = #map1}]} {
    %mul3A = arith.constant 2 : i32
    %mul3A_0 = arith.muli %arg1, %mul3A : i32
    %add3A = arith.addi %mul3A_0, %arg0 : i32
    %mul3A_1 = arith.constant 256 : i32
    %mul3A_2 = arith.muli %add3A, %mul3A_1 : i32
    "tpu.region"() ({
      %run_scoped3A = tpu.sem_alloc : memref<!tpu.dma_semaphore, #tpu.memory_space<semaphore_mem>>
      %dma_start3A_7 = tpu.memref_slice %arg2[%mul3A_2] : memref<8192xi32, #tpu.memory_space<hbm>> -> memref<256xi32, #tpu.memory_space<hbm>>
      %dma_start3A_8 = tpu.memref_slice %arg2[%mul3A_2] : memref<8192xi32, #tpu.memory_space<hbm>> -> memref<256xi32, #tpu.memory_space<hbm>>
      tpu.enqueue_dma source(%dma_start3A_8 : memref<256xi32, #tpu.memory_space<hbm>>) target(%arg5 : memref<256xi32, #tpu.memory_space<vmem>>) target_semaphore(%run_scoped3A : memref<!tpu.dma_semaphore, #tpu.memory_space<semaphore_mem>>)
      %dma_wait3A_9 = tpu.memref_slice %arg2[%mul3A_2] : memref<8192xi32, #tpu.memory_space<hbm>> -> memref<256xi32, #tpu.memory_space<hbm>>
      %dma_wait3A_10 = tpu.memref_slice %arg2[%mul3A_2] : memref<8192xi32, #tpu.memory_space<hbm>> -> memref<256xi32, #tpu.memory_space<hbm>>
      tpu.wait_dma2 semaphore(%run_scoped3A : memref<!tpu.dma_semaphore, #tpu.memory_space<semaphore_mem>>) src(%dma_wait3A_10 : memref<256xi32, #tpu.memory_space<hbm>>) dst(%arg5 : memref<256xi32, #tpu.memory_space<vmem>>)
      tpu.yield
    }) : () -> ()
    %dma_start3A = arith.constant 0 : i32
    %dma_start3A_3 = arith.constant 0 : i32
    %dma_start3A_4 = tpu.memref_slice %arg3[%dma_start3A, %dma_start3A_3] : memref<8192x32xf32, #tpu.memory_space<hbm>> -> memref<8192x32xf32, #tpu.memory_space<hbm>>
    tpu.enqueue_indirect_dma source(%dma_start3A_4 : memref<8192x32xf32, #tpu.memory_space<hbm>>) target(%arg6 : memref<256x32xf32, #tpu.memory_space<vmem>>) offsets(%arg5 : memref<256xi32, #tpu.memory_space<vmem>>) semaphore(%arg7 : memref<!tpu.dma_semaphore, #tpu.memory_space<semaphore_mem>>)
    %dma_wait3A = arith.constant 0 : i32
    %dma_wait3A_5 = arith.constant 0 : i32
    %dma_wait3A_6 = tpu.memref_slice %arg3[%dma_wait3A, %dma_wait3A_5] : memref<8192x32xf32, #tpu.memory_space<hbm>> -> memref<8192x32xf32, #tpu.memory_space<hbm>>
    tpu.wait_indirect_dma semaphore(%arg7 : memref<!tpu.dma_semaphore, #tpu.memory_space<semaphore_mem>>) src(%dma_wait3A_6 : memref<8192x32xf32, #tpu.memory_space<hbm>>) dst(%arg6 : memref<256x32xf32, #tpu.memory_space<vmem>>)
    "tpu.region"() ({
      %run_scoped3A = tpu.sem_alloc : memref<!tpu.dma_semaphore, #tpu.memory_space<semaphore_mem>>
      %dma_start3A_7 = arith.constant 0 : i32
      %dma_start3A_8 = tpu.memref_slice %arg4[%mul3A_2, %dma_start3A_7] : memref<8192x32xf32, #tpu.memory_space<hbm>> -> memref<256x32xf32, #tpu.memory_space<hbm>>
      %dma_start3A_9 = arith.constant 0 : i32
      %dma_start3A_10 = tpu.memref_slice %arg4[%mul3A_2, %dma_start3A_9] : memref<8192x32xf32, #tpu.memory_space<hbm>> -> memref<256x32xf32, #tpu.memory_space<hbm>>
      tpu.enqueue_dma source(%arg6 : memref<256x32xf32, #tpu.memory_space<vmem>>) target(%dma_start3A_10 : memref<256x32xf32, #tpu.memory_space<hbm>>) target_semaphore(%run_scoped3A : memref<!tpu.dma_semaphore, #tpu.memory_space<semaphore_mem>>)
      %dma_wait3A_11 = arith.constant 0 : i32
      %dma_wait3A_12 = tpu.memref_slice %arg4[%mul3A_2, %dma_wait3A_11] : memref<8192x32xf32, #tpu.memory_space<hbm>> -> memref<256x32xf32, #tpu.memory_space<hbm>>
      %dma_wait3A_13 = arith.constant 0 : i32
      %dma_wait3A_14 = tpu.memref_slice %arg4[%mul3A_2, %dma_wait3A_13] : memref<8192x32xf32, #tpu.memory_space<hbm>> -> memref<256x32xf32, #tpu.memory_space<hbm>>
      tpu.wait_dma2 semaphore(%run_scoped3A : memref<!tpu.dma_semaphore, #tpu.memory_space<semaphore_mem>>) src(%arg6 : memref<256x32xf32, #tpu.memory_space<vmem>>) dst(%dma_wait3A_14 : memref<256x32xf32, #tpu.memory_space<hbm>>)
      tpu.yield
    }) : () -> ()
    return
  }
}

module attributes {stable_mosaic.version = 14 : i64} {
  func.func @_argmin_body(%arg0: i32, %arg1: i32, %arg2: memref<1x32x1024xf32, #tpu.memory_space<vmem>>, %arg3: memref<8192x32xf32, #tpu.memory_space<vmem>>, %arg4: memref<1x1x1024xi32, #tpu.memory_space<vmem>>) attributes {dimension_semantics = [#tpu.dimension_semantics<arbitrary>, #tpu.dimension_semantics<arbitrary>], iteration_bounds = array<i64: 8, 1>, scalar_prefetch = 0 : i64, scratch_operands = 0 : i64, tpu.core_type = #tpu.core_type<tc>, window_params = [{transform_indices = @transform_0, window_bounds = array<i64: 1, 32, 1024>}, {pipeline_mode = #tpu.pipeline_mode<synchronous>, transform_indices = @transform_1, window_bounds = array<i64: 8192, 32>}, {transform_indices = @transform_2, window_bounds = array<i64: 1, 1, 1024>}]} {
    %get3A = arith.constant 0 : index
    %get3A_0 = arith.constant 0 : index
    %get3A_1 = arith.constant 0 : index
    %get3A_2 = vector.load %arg2[%get3A, %get3A_0, %get3A_1] : memref<1x32x1024xf32, #tpu.memory_space<vmem>>, vector<1x32x1024xf32>
    %get3A_3 = vector.shape_cast %get3A_2 : vector<1x32x1024xf32> to vector<32x1024xf32>
    %get3A_4 = arith.constant 0 : index
    %get3A_5 = arith.constant 0 : index
    %get3A_6 = vector.load %arg3[%get3A_4, %get3A_5] : memref<8192x32xf32, #tpu.memory_space<vmem>>, vector<8192x32xf32>
    %mul3A = arith.mulf %get3A_6, %get3A_6 : vector<8192x32xf32>
    %reduce_sum3A = arith.constant dense<0.000000e+00> : vector<8192xf32>
    %reduce_sum3A_7 = vector.multi_reduction <add>, %mul3A, %reduce_sum3A [1] : vector<8192x32xf32> to vector<8192xf32>
    %broadcast_in_dim3A = vector.shape_cast %reduce_sum3A_7 : vector<8192xf32> to vector<8192x1xf32>
    %mul3A_8 = arith.constant -5.000000e-01 : f32
    %mul3A_9 = vector.broadcast %mul3A_8 : f32 to vector<8192x1xf32>
    %mul3A_10 = arith.mulf %mul3A_9, %broadcast_in_dim3A : vector<8192x1xf32>
    %convert_element_type3A = arith.truncf %mul3A_10 : vector<8192x1xf32> to vector<8192x1xbf16>
    %convert_element_type3A_11 = arith.extf %convert_element_type3A : vector<8192x1xbf16> to vector<8192x1xf32>
    %mul3A_12 = arith.constant -5.000000e-01 : f32
    %mul3A_13 = vector.broadcast %mul3A_12 : f32 to vector<8192x1xf32>
    %mul3A_14 = arith.mulf %mul3A_13, %broadcast_in_dim3A : vector<8192x1xf32>
    %sub3A = arith.subf %mul3A_14, %convert_element_type3A_11 : vector<8192x1xf32>
    %concatenate3A = tpu.concatenate %get3A_6, %convert_element_type3A_11, %sub3A in 1 : vector<8192x32xf32>, vector<8192x1xf32>, vector<8192x1xf32> -> vector<8192x34xf32>
    %broadcast_in_dim3A_15 = arith.constant 1.000000e+00 : f32
    %broadcast_in_dim3A_16 = vector.broadcast %broadcast_in_dim3A_15 : f32 to vector<2x1024xf32>
    %concatenate3A_17 = tpu.concatenate %get3A_3, %broadcast_in_dim3A_16 in 0 : vector<32x1024xf32>, vector<2x1024xf32> -> vector<34x1024xf32>
    %slice3A = vector.extract_strided_slice %concatenate3A_17 {offsets = [0, 0], sizes = [34, 512], strides = [1, 1]} : vector<34x1024xf32> to vector<34x512xf32>
    %dot_general3A = arith.constant dense<0.000000e+00> : vector<8192x512xf32>
    %dot_general3A_18 = tpu.matmul %concatenate3A, %slice3A, %dot_general3A {dimension_numbers = #tpu.dot_dimension_numbers<[1], [0], [0], [1], [0, 0, 1, 1], [], []>, transpose_lhs_hint = false} : vector<8192x34xf32>, vector<34x512xf32>, vector<8192x512xf32> -> vector<8192x512xf32>
    %argmax3A = tpu.reduce_index %dot_general3A_18 {axis = 0 : i32, kind = #tpu.reduction_kind<arg_max>} : vector<8192x512xf32> -> vector<512xi32>
    %swap3A = arith.constant 0 : index
    %swap3A_19 = arith.constant 0 : index
    %swap3A_20 = arith.constant 0 : index
    %swap3A_21 = vector.load %arg4[%swap3A, %swap3A_19, %swap3A_20] : memref<1x1x1024xi32, #tpu.memory_space<vmem>>, vector<1x1x512xi32>
    %swap3A_22 = vector.shape_cast %swap3A_21 : vector<1x1x512xi32> to vector<512xi32>
    %swap3A_23 = vector.shape_cast %argmax3A : vector<512xi32> to vector<1x1x512xi32>
    tpu.vector_store %arg4[%swap3A, %swap3A_19, %swap3A_20], %swap3A_23 {strides = array<i32>} : memref<1x1x1024xi32, #tpu.memory_space<vmem>>, vector<1x1x512xi32>,
    %slice3A_24 = vector.extract_strided_slice %concatenate3A_17 {offsets = [0, 512], sizes = [34, 512], strides = [1, 1]} : vector<34x1024xf32> to vector<34x512xf32>
    %dot_general3A_25 = arith.constant dense<0.000000e+00> : vector<8192x512xf32>
    %dot_general3A_26 = tpu.matmul %concatenate3A, %slice3A_24, %dot_general3A_25 {dimension_numbers = #tpu.dot_dimension_numbers<[1], [0], [0], [1], [0, 0, 1, 1], [], []>, transpose_lhs_hint = false} : vector<8192x34xf32>, vector<34x512xf32>, vector<8192x512xf32> -> vector<8192x512xf32>
    %argmax3A_27 = tpu.reduce_index %dot_general3A_26 {axis = 0 : i32, kind = #tpu.reduction_kind<arg_max>} : vector<8192x512xf32> -> vector<512xi32>
    %swap3A_28 = arith.constant 0 : index
    %swap3A_29 = arith.constant 0 : index
    %swap3A_30 = arith.constant 512 : index
    %swap3A_31 = vector.load %arg4[%swap3A_28, %swap3A_29, %swap3A_30] : memref<1x1x1024xi32, #tpu.memory_space<vmem>>, vector<1x1x512xi32>
    %swap3A_32 = vector.shape_cast %swap3A_31 : vector<1x1x512xi32> to vector<512xi32>
    %swap3A_33 = vector.shape_cast %argmax3A_27 : vector<512xi32> to vector<1x1x512xi32>
    tpu.vector_store %arg4[%swap3A_28, %swap3A_29, %swap3A_30], %swap3A_33 {strides = array<i32>} : memref<1x1x1024xi32, #tpu.memory_space<vmem>>, vector<1x1x512xi32>,
    return
  }
  func.func @transform_0(%arg0: i32, %arg1: i32) -> (i32, i32, i32) {
    %c0_i32 = arith.constant 0 : i32
    %c0_i32_0 = arith.constant 0 : i32
    return %arg0, %c0_i32, %arg1 : i32, i32, i32
  }
  func.func @transform_1(%arg0: i32, %arg1: i32) -> (i32, i32) {
    %c0_i32 = arith.constant 0 : i32
    %c0_i32_0 = arith.constant 0 : i32
    %c0_i32_1 = arith.constant 0 : i32
    return %c0_i32, %c0_i32_0 : i32, i32
  }
  func.func @transform_2(%arg0: i32, %arg1: i32) -> (i32, i32, i32) {
    %c0_i32 = arith.constant 0 : i32
    %c0_i32_0 = arith.constant 0 : i32
    return %arg0, %c0_i32, %arg1 : i32, i32, i32
  }
}

module attributes {stable_mosaic.version = 14 : i64} {
  func.func @_loss_body(%arg0: memref<8x32x1024xf32, #tpu.memory_space<vmem>>, %arg1: memref<8192x32xf32, #tpu.memory_space<vmem>>, %arg2: memref<8x3x1024xf32, #tpu.memory_space<vmem>>, %arg3: memref<3x32xf32, #tpu.memory_space<vmem>>, %arg4: memref<3x1xf32, #tpu.memory_space<vmem>>, %arg5: memref<1x1xf32, #tpu.memory_space<smem>>, %arg6: memref<1x1xf32, #tpu.memory_space<smem>>, %arg7: memref<1x1xf32, #tpu.memory_space<smem>>) attributes {dimension_semantics = [], scalar_prefetch = 0 : i64, scratch_operands = 0 : i64, tpu.core_type = #tpu.core_type<tc>} {
    %iota3A = tpu.iota {dimensions = array<i32: 0>} : vector<32x32xi32>
    %iota3A_0 = tpu.iota {dimensions = array<i32: 1>} : vector<32x32xi32>
    %eq3A = arith.cmpi eq, %iota3A, %iota3A_0 : vector<32x32xi32>
    %get3A = arith.constant 0 : index
    %get3A_1 = arith.constant 0 : index
    %get3A_2 = vector.load %arg3[%get3A, %get3A_1] : memref<3x32xf32, #tpu.memory_space<vmem>>, vector<3x32xf32>
    %get3A_3 = arith.constant 0 : index
    %get3A_4 = arith.constant 0 : index
    %get3A_5 = vector.load %arg4[%get3A_3, %get3A_4] : memref<3x1xf32, #tpu.memory_space<vmem>>, vector<3x1xf32>
    %get3A_6 = arith.constant 0 : index
    %get3A_7 = arith.constant 0 : index
    %get3A_8 = arith.constant 0 : index
    %get3A_9 = vector.load %arg0[%get3A_6, %get3A_7, %get3A_8] : memref<8x32x1024xf32, #tpu.memory_space<vmem>>, vector<1x32x1024xf32>
    %get3A_10 = vector.shape_cast %get3A_9 : vector<1x32x1024xf32> to vector<32x1024xf32>
    %get3A_11 = arith.constant 0 : index
    %get3A_12 = arith.constant 0 : index
    %get3A_13 = vector.load %arg1[%get3A_11, %get3A_12] : memref<8192x32xf32, #tpu.memory_space<vmem>>, vector<1024x32xf32>
    %dot_general3A = arith.constant dense<0.000000e+00> : vector<32x32xf32>
    %dot_general3A_14 = tpu.matmul %get3A_10, %get3A_13, %dot_general3A {dimension_numbers = #tpu.dot_dimension_numbers<[1], [0], [0], [1], [0, 0, 1, 1], [], []>, transpose_lhs_hint = false} : vector<32x1024xf32>, vector<1024x32xf32>, vector<32x32xf32> -> vector<32x32xf32>
    %jit3A = arith.constant 0.000000e+00 : f32
    %broadcast_in_dim3A = vector.broadcast %jit3A : f32 to vector<32x32xf32>
    %select_n3A = arith.select %eq3A, %dot_general3A_14, %broadcast_in_dim3A : vector<32x32xi1>, vector<32x32xf32>
    %reduce_sum3A = vector.shape_cast %select_n3A : vector<32x32xf32> to vector<1x32x32xf32>
    %reduce_sum3A_15 = arith.constant dense<0.000000e+00> : vector<1xf32>
    %reduce_sum3A_16 = vector.multi_reduction <add>, %reduce_sum3A, %reduce_sum3A_15 [1, 2] : vector<1x32x32xf32> to vector<1xf32>
    %reduce_sum3A_17 = vector.shape_cast %reduce_sum3A_16 : vector<1xf32> to vector<1x1x1xf32>
    %reduce_sum3A_18 = vector.extract %reduce_sum3A_17[0, 0, 0] : f32 from vector<1x1x1xf32>
    %mul3A = arith.mulf %get3A_10, %get3A_10 : vector<32x1024xf32>
    %reduce_sum3A_19 = vector.shape_cast %mul3A : vector<32x1024xf32> to vector<1x32x1024xf32>
    %reduce_sum3A_20 = arith.constant dense<0.000000e+00> : vector<1xf32>
    %reduce_sum3A_21 = vector.multi_reduction <add>, %reduce_sum3A_19, %reduce_sum3A_20 [1, 2] : vector<1x32x1024xf32> to vector<1xf32>
    %reduce_sum3A_22 = vector.shape_cast %reduce_sum3A_21 : vector<1xf32> to vector<1x1x1xf32>
    %reduce_sum3A_23 = vector.extract %reduce_sum3A_22[0, 0, 0] : f32 from vector<1x1x1xf32>
    %add3A = arith.constant 0.000000e+00 : f32
    %add3A_24 = arith.addf %add3A, %reduce_sum3A_23 : f32
    %mul3A_25 = arith.mulf %get3A_13, %get3A_13 : vector<1024x32xf32>
    %reduce_sum3A_26 = vector.shape_cast %mul3A_25 : vector<1024x32xf32> to vector<1x1024x32xf32>
    %reduce_sum3A_27 = arith.constant dense<0.000000e+00> : vector<1xf32>
    %reduce_sum3A_28 = vector.multi_reduction <add>, %reduce_sum3A_26, %reduce_sum3A_27 [1, 2] : vector<1x1024x32xf32> to vector<1xf32>
    %reduce_sum3A_29 = vector.shape_cast %reduce_sum3A_28 : vector<1xf32> to vector<1x1x1xf32>
    %reduce_sum3A_30 = vector.extract %reduce_sum3A_29[0, 0, 0] : f32 from vector<1x1x1xf32>
    %add3A_31 = arith.addf %add3A_24, %reduce_sum3A_30 : f32
    %mul3A_32 = arith.constant 2.000000e+00 : f32
    %mul3A_33 = arith.mulf %mul3A_32, %reduce_sum3A_18 : f32
    %sub3A = arith.subf %add3A_31, %mul3A_33 : f32
    %dot_general3A_34 = arith.constant dense<0.000000e+00> : vector<3x1024xf32>
    %dot_general3A_35 = tpu.matmul %get3A_2, %get3A_13, %dot_general3A_34 {dimension_numbers = #tpu.dot_dimension_numbers<[1], [1], [0], [0], [0, 0, 1, 0], [], []>, transpose_lhs_hint = false} : vector<3x32xf32>, vector<1024x32xf32>, vector<3x1024xf32> -> vector<3x1024xf32>
    %add3A_36 = vector.broadcast %get3A_5 : vector<3x1xf32> to vector<3x1024xf32>
    %add3A_37 = arith.addf %dot_general3A_35, %add3A_36 : vector<3x1024xf32>
    %get3A_38 = arith.constant 0 : index
    %get3A_39 = arith.constant 0 : index
    %get3A_40 = arith.constant 0 : index
    %get3A_41 = vector.load %arg2[%get3A_38, %get3A_39, %get3A_40] : memref<8x3x1024xf32, #tpu.memory_space<vmem>>, vector<1x3x1024xf32>
    %get3A_42 = vector.shape_cast %get3A_41 : vector<1x3x1024xf32> to vector<3x1024xf32>
    %sub3A_43 = arith.subf %add3A_37, %get3A_42 : vector<3x1024xf32>
    %mul3A_44 = arith.mulf %sub3A_43, %sub3A_43 : vector<3x1024xf32>
    %reduce_sum3A_45 = vector.shape_cast %mul3A_44 : vector<3x1024xf32> to vector<1x3x1024xf32>
    %reduce_sum3A_46 = arith.constant dense<0.000000e+00> : vector<1xf32>
    %reduce_sum3A_47 = vector.multi_reduction <add>, %reduce_sum3A_45, %reduce_sum3A_46 [1, 2] : vector<1x3x1024xf32> to vector<1xf32>
    %reduce_sum3A_48 = vector.shape_cast %reduce_sum3A_47 : vector<1xf32> to vector<1x1x1xf32>
    %reduce_sum3A_49 = vector.extract %reduce_sum3A_48[0, 0, 0] : f32 from vector<1x1x1xf32>
    %add3A_50 = arith.constant 0.000000e+00 : f32
    %add3A_51 = arith.addf %add3A_50, %reduce_sum3A_49 : f32
    %get3A_52 = arith.constant 1 : index
    %get3A_53 = arith.constant 0 : index
    %get3A_54 = arith.constant 0 : index
    %get3A_55 = vector.load %arg0[%get3A_52, %get3A_53, %get3A_54] : memref<8x32x1024xf32, #tpu.memory_space<vmem>>, vector<1x32x1024xf32>
    %get3A_56 = vector.shape_cast %get3A_55 : vector<1x32x1024xf32> to vector<32x1024xf32>
    %get3A_57 = arith.constant 1024 : index
    %get3A_58 = arith.constant 0 : index
    %get3A_59 = vector.load %arg1[%get3A_57, %get3A_58] : memref<8192x32xf32, #tpu.memory_space<vmem>>, vector<1024x32xf32>
    %dot_general3A_60 = arith.constant dense<0.000000e+00> : vector<32x32xf32>
    %dot_general3A_61 = tpu.matmul %get3A_56, %get3A_59, %dot_general3A_60 {dimension_numbers = #tpu.dot_dimension_numbers<[1], [0], [0], [1], [0, 0, 1, 1], [], []>, transpose_lhs_hint = false} : vector<32x1024xf32>, vector<1024x32xf32>, vector<32x32xf32> -> vector<32x32xf32>
    %jit3A_62 = arith.constant 0.000000e+00 : f32
    %broadcast_in_dim3A_63 = vector.broadcast %jit3A_62 : f32 to vector<32x32xf32>
    %select_n3A_64 = arith.select %eq3A, %dot_general3A_61, %broadcast_in_dim3A_63 : vector<32x32xi1>, vector<32x32xf32>
    %reduce_sum3A_65 = vector.shape_cast %select_n3A_64 : vector<32x32xf32> to vector<1x32x32xf32>
    %reduce_sum3A_66 = arith.constant dense<0.000000e+00> : vector<1xf32>
    %reduce_sum3A_67 = vector.multi_reduction <add>, %reduce_sum3A_65, %reduce_sum3A_66 [1, 2] : vector<1x32x32xf32> to vector<1xf32>
    %reduce_sum3A_68 = vector.shape_cast %reduce_sum3A_67 : vector<1xf32> to vector<1x1x1xf32>
    %reduce_sum3A_69 = vector.extract %reduce_sum3A_68[0, 0, 0] : f32 from vector<1x1x1xf32>
    %mul3A_70 = arith.mulf %get3A_56, %get3A_56 : vector<32x1024xf32>
    %reduce_sum3A_71 = vector.shape_cast %mul3A_70 : vector<32x1024xf32> to vector<1x32x1024xf32>
    %reduce_sum3A_72 = arith.constant dense<0.000000e+00> : vector<1xf32>
    %reduce_sum3A_73 = vector.multi_reduction <add>, %reduce_sum3A_71, %reduce_sum3A_72 [1, 2] : vector<1x32x1024xf32> to vector<1xf32>
    %reduce_sum3A_74 = vector.shape_cast %reduce_sum3A_73 : vector<1xf32> to vector<1x1x1xf32>
    %reduce_sum3A_75 = vector.extract %reduce_sum3A_74[0, 0, 0] : f32 from vector<1x1x1xf32>
    %add3A_76 = arith.addf %sub3A, %reduce_sum3A_75 : f32
    %mul3A_77 = arith.mulf %get3A_59, %get3A_59 : vector<1024x32xf32>
    %reduce_sum3A_78 = vector.shape_cast %mul3A_77 : vector<1024x32xf32> to vector<1x1024x32xf32>
    %reduce_sum3A_79 = arith.constant dense<0.000000e+00> : vector<1xf32>
    %reduce_sum3A_80 = vector.multi_reduction <add>, %reduce_sum3A_78, %reduce_sum3A_79 [1, 2] : vector<1x1024x32xf32> to vector<1xf32>
    %reduce_sum3A_81 = vector.shape_cast %reduce_sum3A_80 : vector<1xf32> to vector<1x1x1xf32>
    %reduce_sum3A_82 = vector.extract %reduce_sum3A_81[0, 0, 0] : f32 from vector<1x1x1xf32>
    %add3A_83 = arith.addf %add3A_76, %reduce_sum3A_82 : f32
    %mul3A_84 = arith.constant 2.000000e+00 : f32
    %mul3A_85 = arith.mulf %mul3A_84, %reduce_sum3A_69 : f32
    %sub3A_86 = arith.subf %add3A_83, %mul3A_85 : f32
    %dot_general3A_87 = arith.constant dense<0.000000e+00> : vector<3x1024xf32>
    %dot_general3A_88 = tpu.matmul %get3A_2, %get3A_59, %dot_general3A_87 {dimension_numbers = #tpu.dot_dimension_numbers<[1], [1], [0], [0], [0, 0, 1, 0], [], []>, transpose_lhs_hint = false} : vector<3x32xf32>, vector<1024x32xf32>, vector<3x1024xf32> -> vector<3x1024xf32>
    %add3A_89 = vector.broadcast %get3A_5 : vector<3x1xf32> to vector<3x1024xf32>
    %add3A_90 = arith.addf %dot_general3A_88, %add3A_89 : vector<3x1024xf32>
    %get3A_91 = arith.constant 1 : index
    %get3A_92 = arith.constant 0 : index
    %get3A_93 = arith.constant 0 : index
    %get3A_94 = vector.load %arg2[%get3A_91, %get3A_92, %get3A_93] : memref<8x3x1024xf32, #tpu.memory_space<vmem>>, vector<1x3x1024xf32>
    %get3A_95 = vector.shape_cast %get3A_94 : vector<1x3x1024xf32> to vector<3x1024xf32>
    %sub3A_96 = arith.subf %add3A_90, %get3A_95 : vector<3x1024xf32>
    %mul3A_97 = arith.mulf %sub3A_96, %sub3A_96 : vector<3x1024xf32>
    %reduce_sum3A_98 = vector.shape_cast %mul3A_97 : vector<3x1024xf32> to vector<1x3x1024xf32>
    %reduce_sum3A_99 = arith.constant dense<0.000000e+00> : vector<1xf32>
    %reduce_sum3A_100 = vector.multi_reduction <add>, %reduce_sum3A_98, %reduce_sum3A_99 [1, 2] : vector<1x3x1024xf32> to vector<1xf32>
    %reduce_sum3A_101 = vector.shape_cast %reduce_sum3A_100 : vector<1xf32> to vector<1x1x1xf32>
    %reduce_sum3A_102 = vector.extract %reduce_sum3A_101[0, 0, 0] : f32 from vector<1x1x1xf32>
    %add3A_103 = arith.addf %add3A_51, %reduce_sum3A_102 : f32
    %get3A_104 = arith.constant 2 : index
    %get3A_105 = arith.constant 0 : index
    %get3A_106 = arith.constant 0 : index
    %get3A_107 = vector.load %arg0[%get3A_104, %get3A_105, %get3A_106] : memref<8x32x1024xf32, #tpu.memory_space<vmem>>, vector<1x32x1024xf32>
    %get3A_108 = vector.shape_cast %get3A_107 : vector<1x32x1024xf32> to vector<32x1024xf32>
    %get3A_109 = arith.constant 2048 : index
    %get3A_110 = arith.constant 0 : index
    %get3A_111 = vector.load %arg1[%get3A_109, %get3A_110] : memref<8192x32xf32, #tpu.memory_space<vmem>>, vector<1024x32xf32>
    %dot_general3A_112 = arith.constant dense<0.000000e+00> : vector<32x32xf32>
    %dot_general3A_113 = tpu.matmul %get3A_108, %get3A_111, %dot_general3A_112 {dimension_numbers = #tpu.dot_dimension_numbers<[1], [0], [0], [1], [0, 0, 1, 1], [], []>, transpose_lhs_hint = false} : vector<32x1024xf32>, vector<1024x32xf32>, vector<32x32xf32> -> vector<32x32xf32>
    %jit3A_114 = arith.constant 0.000000e+00 : f32
    %broadcast_in_dim3A_115 = vector.broadcast %jit3A_114 : f32 to vector<32x32xf32>
    %select_n3A_116 = arith.select %eq3A, %dot_general3A_113, %broadcast_in_dim3A_115 : vector<32x32xi1>, vector<32x32xf32>
    %reduce_sum3A_117 = vector.shape_cast %select_n3A_116 : vector<32x32xf32> to vector<1x32x32xf32>
    %reduce_sum3A_118 = arith.constant dense<0.000000e+00> : vector<1xf32>
    %reduce_sum3A_119 = vector.multi_reduction <add>, %reduce_sum3A_117, %reduce_sum3A_118 [1, 2] : vector<1x32x32xf32> to vector<1xf32>
    %reduce_sum3A_120 = vector.shape_cast %reduce_sum3A_119 : vector<1xf32> to vector<1x1x1xf32>
    %reduce_sum3A_121 = vector.extract %reduce_sum3A_120[0, 0, 0] : f32 from vector<1x1x1xf32>
    %mul3A_122 = arith.mulf %get3A_108, %get3A_108 : vector<32x1024xf32>
    %reduce_sum3A_123 = vector.shape_cast %mul3A_122 : vector<32x1024xf32> to vector<1x32x1024xf32>
    %reduce_sum3A_124 = arith.constant dense<0.000000e+00> : vector<1xf32>
    %reduce_sum3A_125 = vector.multi_reduction <add>, %reduce_sum3A_123, %reduce_sum3A_124 [1, 2] : vector<1x32x1024xf32> to vector<1xf32>
    %reduce_sum3A_126 = vector.shape_cast %reduce_sum3A_125 : vector<1xf32> to vector<1x1x1xf32>
    %reduce_sum3A_127 = vector.extract %reduce_sum3A_126[0, 0, 0] : f32 from vector<1x1x1xf32>
    %add3A_128 = arith.addf %sub3A_86, %reduce_sum3A_127 : f32
    %mul3A_129 = arith.mulf %get3A_111, %get3A_111 : vector<1024x32xf32>
    %reduce_sum3A_130 = vector.shape_cast %mul3A_129 : vector<1024x32xf32> to vector<1x1024x32xf32>
    %reduce_sum3A_131 = arith.constant dense<0.000000e+00> : vector<1xf32>
    %reduce_sum3A_132 = vector.multi_reduction <add>, %reduce_sum3A_130, %reduce_sum3A_131 [1, 2] : vector<1x1024x32xf32> to vector<1xf32>
    %reduce_sum3A_133 = vector.shape_cast %reduce_sum3A_132 : vector<1xf32> to vector<1x1x1xf32>
    %reduce_sum3A_134 = vector.extract %reduce_sum3A_133[0, 0, 0] : f32 from vector<1x1x1xf32>
    %add3A_135 = arith.addf %add3A_128, %reduce_sum3A_134 : f32
    %mul3A_136 = arith.constant 2.000000e+00 : f32
    %mul3A_137 = arith.mulf %mul3A_136, %reduce_sum3A_121 : f32
    %sub3A_138 = arith.subf %add3A_135, %mul3A_137 : f32
    %dot_general3A_139 = arith.constant dense<0.000000e+00> : vector<3x1024xf32>
    %dot_general3A_140 = tpu.matmul %get3A_2, %get3A_111, %dot_general3A_139 {dimension_numbers = #tpu.dot_dimension_numbers<[1], [1], [0], [0], [0, 0, 1, 0], [], []>, transpose_lhs_hint = false} : vector<3x32xf32>, vector<1024x32xf32>, vector<3x1024xf32> -> vector<3x1024xf32>
    %add3A_141 = vector.broadcast %get3A_5 : vector<3x1xf32> to vector<3x1024xf32>
    %add3A_142 = arith.addf %dot_general3A_140, %add3A_141 : vector<3x1024xf32>
    %get3A_143 = arith.constant 2 : index
    %get3A_144 = arith.constant 0 : index
    %get3A_145 = arith.constant 0 : index
    %get3A_146 = vector.load %arg2[%get3A_143, %get3A_144, %get3A_145] : memref<8x3x1024xf32, #tpu.memory_space<vmem>>, vector<1x3x1024xf32>
    %get3A_147 = vector.shape_cast %get3A_146 : vector<1x3x1024xf32> to vector<3x1024xf32>
    %sub3A_148 = arith.subf %add3A_142, %get3A_147 : vector<3x1024xf32>
    %mul3A_149 = arith.mulf %sub3A_148, %sub3A_148 : vector<3x1024xf32>
    %reduce_sum3A_150 = vector.shape_cast %mul3A_149 : vector<3x1024xf32> to vector<1x3x1024xf32>
    %reduce_sum3A_151 = arith.constant dense<0.000000e+00> : vector<1xf32>
    %reduce_sum3A_152 = vector.multi_reduction <add>, %reduce_sum3A_150, %reduce_sum3A_151 [1, 2] : vector<1x3x1024xf32> to vector<1xf32>
    %reduce_sum3A_153 = vector.shape_cast %reduce_sum3A_152 : vector<1xf32> to vector<1x1x1xf32>
    %reduce_sum3A_154 = vector.extract %reduce_sum3A_153[0, 0, 0] : f32 from vector<1x1x1xf32>
    %add3A_155 = arith.addf %add3A_103, %reduce_sum3A_154 : f32
    %get3A_156 = arith.constant 3 : index
    %get3A_157 = arith.constant 0 : index
    %get3A_158 = arith.constant 0 : index
    %get3A_159 = vector.load %arg0[%get3A_156, %get3A_157, %get3A_158] : memref<8x32x1024xf32, #tpu.memory_space<vmem>>, vector<1x32x1024xf32>
    %get3A_160 = vector.shape_cast %get3A_159 : vector<1x32x1024xf32> to vector<32x1024xf32>
    %get3A_161 = arith.constant 3072 : index
    %get3A_162 = arith.constant 0 : index
    %get3A_163 = vector.load %arg1[%get3A_161, %get3A_162] : memref<8192x32xf32, #tpu.memory_space<vmem>>, vector<1024x32xf32>
    %dot_general3A_164 = arith.constant dense<0.000000e+00> : vector<32x32xf32>
    %dot_general3A_165 = tpu.matmul %get3A_160, %get3A_163, %dot_general3A_164 {dimension_numbers = #tpu.dot_dimension_numbers<[1], [0], [0], [1], [0, 0, 1, 1], [], []>, transpose_lhs_hint = false} : vector<32x1024xf32>, vector<1024x32xf32>, vector<32x32xf32> -> vector<32x32xf32>
    %jit3A_166 = arith.constant 0.000000e+00 : f32
    %broadcast_in_dim3A_167 = vector.broadcast %jit3A_166 : f32 to vector<32x32xf32>
    %select_n3A_168 = arith.select %eq3A, %dot_general3A_165, %broadcast_in_dim3A_167 : vector<32x32xi1>, vector<32x32xf32>
    %reduce_sum3A_169 = vector.shape_cast %select_n3A_168 : vector<32x32xf32> to vector<1x32x32xf32>
    %reduce_sum3A_170 = arith.constant dense<0.000000e+00> : vector<1xf32>
    %reduce_sum3A_171 = vector.multi_reduction <add>, %reduce_sum3A_169, %reduce_sum3A_170 [1, 2] : vector<1x32x32xf32> to vector<1xf32>
    %reduce_sum3A_172 = vector.shape_cast %reduce_sum3A_171 : vector<1xf32> to vector<1x1x1xf32>
    %reduce_sum3A_173 = vector.extract %reduce_sum3A_172[0, 0, 0] : f32 from vector<1x1x1xf32>
    %mul3A_174 = arith.mulf %get3A_160, %get3A_160 : vector<32x1024xf32>
    %reduce_sum3A_175 = vector.shape_cast %mul3A_174 : vector<32x1024xf32> to vector<1x32x1024xf32>
    %reduce_sum3A_176 = arith.constant dense<0.000000e+00> : vector<1xf32>
    %reduce_sum3A_177 = vector.multi_reduction <add>, %reduce_sum3A_175, %reduce_sum3A_176 [1, 2] : vector<1x32x1024xf32> to vector<1xf32>
    %reduce_sum3A_178 = vector.shape_cast %reduce_sum3A_177 : vector<1xf32> to vector<1x1x1xf32>
    %reduce_sum3A_179 = vector.extract %reduce_sum3A_178[0, 0, 0] : f32 from vector<1x1x1xf32>
    %add3A_180 = arith.addf %sub3A_138, %reduce_sum3A_179 : f32
    %mul3A_181 = arith.mulf %get3A_163, %get3A_163 : vector<1024x32xf32>
    %reduce_sum3A_182 = vector.shape_cast %mul3A_181 : vector<1024x32xf32> to vector<1x1024x32xf32>
    %reduce_sum3A_183 = arith.constant dense<0.000000e+00> : vector<1xf32>
    %reduce_sum3A_184 = vector.multi_reduction <add>, %reduce_sum3A_182, %reduce_sum3A_183 [1, 2] : vector<1x1024x32xf32> to vector<1xf32>
    %reduce_sum3A_185 = vector.shape_cast %reduce_sum3A_184 : vector<1xf32> to vector<1x1x1xf32>
    %reduce_sum3A_186 = vector.extract %reduce_sum3A_185[0, 0, 0] : f32 from vector<1x1x1xf32>
    %add3A_187 = arith.addf %add3A_180, %reduce_sum3A_186 : f32
    %mul3A_188 = arith.constant 2.000000e+00 : f32
    %mul3A_189 = arith.mulf %mul3A_188, %reduce_sum3A_173 : f32
    %sub3A_190 = arith.subf %add3A_187, %mul3A_189 : f32
    %dot_general3A_191 = arith.constant dense<0.000000e+00> : vector<3x1024xf32>
    %dot_general3A_192 = tpu.matmul %get3A_2, %get3A_163, %dot_general3A_191 {dimension_numbers = #tpu.dot_dimension_numbers<[1], [1], [0], [0], [0, 0, 1, 0], [], []>, transpose_lhs_hint = false} : vector<3x32xf32>, vector<1024x32xf32>, vector<3x1024xf32> -> vector<3x1024xf32>
    %add3A_193 = vector.broadcast %get3A_5 : vector<3x1xf32> to vector<3x1024xf32>
    %add3A_194 = arith.addf %dot_general3A_192, %add3A_193 : vector<3x1024xf32>
    %get3A_195 = arith.constant 3 : index
    %get3A_196 = arith.constant 0 : index
    %get3A_197 = arith.constant 0 : index
    %get3A_198 = vector.load %arg2[%get3A_195, %get3A_196, %get3A_197] : memref<8x3x1024xf32, #tpu.memory_space<vmem>>, vector<1x3x1024xf32>
    %get3A_199 = vector.shape_cast %get3A_198 : vector<1x3x1024xf32> to vector<3x1024xf32>
    %sub3A_200 = arith.subf %add3A_194, %get3A_199 : vector<3x1024xf32>
    %mul3A_201 = arith.mulf %sub3A_200, %sub3A_200 : vector<3x1024xf32>
    %reduce_sum3A_202 = vector.shape_cast %mul3A_201 : vector<3x1024xf32> to vector<1x3x1024xf32>
    %reduce_sum3A_203 = arith.constant dense<0.000000e+00> : vector<1xf32>
    %reduce_sum3A_204 = vector.multi_reduction <add>, %reduce_sum3A_202, %reduce_sum3A_203 [1, 2] : vector<1x3x1024xf32> to vector<1xf32>
    %reduce_sum3A_205 = vector.shape_cast %reduce_sum3A_204 : vector<1xf32> to vector<1x1x1xf32>
    %reduce_sum3A_206 = vector.extract %reduce_sum3A_205[0, 0, 0] : f32 from vector<1x1x1xf32>
    %add3A_207 = arith.addf %add3A_155, %reduce_sum3A_206 : f32
    %get3A_208 = arith.constant 4 : index
    %get3A_209 = arith.constant 0 : index
    %get3A_210 = arith.constant 0 : index
    %get3A_211 = vector.load %arg0[%get3A_208, %get3A_209, %get3A_210] : memref<8x32x1024xf32, #tpu.memory_space<vmem>>, vector<1x32x1024xf32>
    %get3A_212 = vector.shape_cast %get3A_211 : vector<1x32x1024xf32> to vector<32x1024xf32>
    %get3A_213 = arith.constant 4096 : index
    %get3A_214 = arith.constant 0 : index
    %get3A_215 = vector.load %arg1[%get3A_213, %get3A_214] : memref<8192x32xf32, #tpu.memory_space<vmem>>, vector<1024x32xf32>
    %dot_general3A_216 = arith.constant dense<0.000000e+00> : vector<32x32xf32>
    %dot_general3A_217 = tpu.matmul %get3A_212, %get3A_215, %dot_general3A_216 {dimension_numbers = #tpu.dot_dimension_numbers<[1], [0], [0], [1], [0, 0, 1, 1], [], []>, transpose_lhs_hint = false} : vector<32x1024xf32>, vector<1024x32xf32>, vector<32x32xf32> -> vector<32x32xf32>
    %jit3A_218 = arith.constant 0.000000e+00 : f32
    %broadcast_in_dim3A_219 = vector.broadcast %jit3A_218 : f32 to vector<32x32xf32>
    %select_n3A_220 = arith.select %eq3A, %dot_general3A_217, %broadcast_in_dim3A_219 : vector<32x32xi1>, vector<32x32xf32>
    %reduce_sum3A_221 = vector.shape_cast %select_n3A_220 : vector<32x32xf32> to vector<1x32x32xf32>
    %reduce_sum3A_222 = arith.constant dense<0.000000e+00> : vector<1xf32>
    %reduce_sum3A_223 = vector.multi_reduction <add>, %reduce_sum3A_221, %reduce_sum3A_222 [1, 2] : vector<1x32x32xf32> to vector<1xf32>
    %reduce_sum3A_224 = vector.shape_cast %reduce_sum3A_223 : vector<1xf32> to vector<1x1x1xf32>
    %reduce_sum3A_225 = vector.extract %reduce_sum3A_224[0, 0, 0] : f32 from vector<1x1x1xf32>
    %mul3A_226 = arith.mulf %get3A_212, %get3A_212 : vector<32x1024xf32>
    %reduce_sum3A_227 = vector.shape_cast %mul3A_226 : vector<32x1024xf32> to vector<1x32x1024xf32>
    %reduce_sum3A_228 = arith.constant dense<0.000000e+00> : vector<1xf32>
    %reduce_sum3A_229 = vector.multi_reduction <add>, %reduce_sum3A_227, %reduce_sum3A_228 [1, 2] : vector<1x32x1024xf32> to vector<1xf32>
    %reduce_sum3A_230 = vector.shape_cast %reduce_sum3A_229 : vector<1xf32> to vector<1x1x1xf32>
    %reduce_sum3A_231 = vector.extract %reduce_sum3A_230[0, 0, 0] : f32 from vector<1x1x1xf32>
    %add3A_232 = arith.addf %sub3A_190, %reduce_sum3A_231 : f32
    %mul3A_233 = arith.mulf %get3A_215, %get3A_215 : vector<1024x32xf32>
    %reduce_sum3A_234 = vector.shape_cast %mul3A_233 : vector<1024x32xf32> to vector<1x1024x32xf32>
    %reduce_sum3A_235 = arith.constant dense<0.000000e+00> : vector<1xf32>
    %reduce_sum3A_236 = vector.multi_reduction <add>, %reduce_sum3A_234, %reduce_sum3A_235 [1, 2] : vector<1x1024x32xf32> to vector<1xf32>
    %reduce_sum3A_237 = vector.shape_cast %reduce_sum3A_236 : vector<1xf32> to vector<1x1x1xf32>
    %reduce_sum3A_238 = vector.extract %reduce_sum3A_237[0, 0, 0] : f32 from vector<1x1x1xf32>
    %add3A_239 = arith.addf %add3A_232, %reduce_sum3A_238 : f32
    %mul3A_240 = arith.constant 2.000000e+00 : f32
    %mul3A_241 = arith.mulf %mul3A_240, %reduce_sum3A_225 : f32
    %sub3A_242 = arith.subf %add3A_239, %mul3A_241 : f32
    %dot_general3A_243 = arith.constant dense<0.000000e+00> : vector<3x1024xf32>
    %dot_general3A_244 = tpu.matmul %get3A_2, %get3A_215, %dot_general3A_243 {dimension_numbers = #tpu.dot_dimension_numbers<[1], [1], [0], [0], [0, 0, 1, 0], [], []>, transpose_lhs_hint = false} : vector<3x32xf32>, vector<1024x32xf32>, vector<3x1024xf32> -> vector<3x1024xf32>
    %add3A_245 = vector.broadcast %get3A_5 : vector<3x1xf32> to vector<3x1024xf32>
    %add3A_246 = arith.addf %dot_general3A_244, %add3A_245 : vector<3x1024xf32>
    %get3A_247 = arith.constant 4 : index
    %get3A_248 = arith.constant 0 : index
    %get3A_249 = arith.constant 0 : index
    %get3A_250 = vector.load %arg2[%get3A_247, %get3A_248, %get3A_249] : memref<8x3x1024xf32, #tpu.memory_space<vmem>>, vector<1x3x1024xf32>
    %get3A_251 = vector.shape_cast %get3A_250 : vector<1x3x1024xf32> to vector<3x1024xf32>
    %sub3A_252 = arith.subf %add3A_246, %get3A_251 : vector<3x1024xf32>
    %mul3A_253 = arith.mulf %sub3A_252, %sub3A_252 : vector<3x1024xf32>
    %reduce_sum3A_254 = vector.shape_cast %mul3A_253 : vector<3x1024xf32> to vector<1x3x1024xf32>
    %reduce_sum3A_255 = arith.constant dense<0.000000e+00> : vector<1xf32>
    %reduce_sum3A_256 = vector.multi_reduction <add>, %reduce_sum3A_254, %reduce_sum3A_255 [1, 2] : vector<1x3x1024xf32> to vector<1xf32>
    %reduce_sum3A_257 = vector.shape_cast %reduce_sum3A_256 : vector<1xf32> to vector<1x1x1xf32>
    %reduce_sum3A_258 = vector.extract %reduce_sum3A_257[0, 0, 0] : f32 from vector<1x1x1xf32>
    %add3A_259 = arith.addf %add3A_207, %reduce_sum3A_258 : f32
    %get3A_260 = arith.constant 5 : index
    %get3A_261 = arith.constant 0 : index
    %get3A_262 = arith.constant 0 : index
    %get3A_263 = vector.load %arg0[%get3A_260, %get3A_261, %get3A_262] : memref<8x32x1024xf32, #tpu.memory_space<vmem>>, vector<1x32x1024xf32>
    %get3A_264 = vector.shape_cast %get3A_263 : vector<1x32x1024xf32> to vector<32x1024xf32>
    %get3A_265 = arith.constant 5120 : index
    %get3A_266 = arith.constant 0 : index
    %get3A_267 = vector.load %arg1[%get3A_265, %get3A_266] : memref<8192x32xf32, #tpu.memory_space<vmem>>, vector<1024x32xf32>
    %dot_general3A_268 = arith.constant dense<0.000000e+00> : vector<32x32xf32>
    %dot_general3A_269 = tpu.matmul %get3A_264, %get3A_267, %dot_general3A_268 {dimension_numbers = #tpu.dot_dimension_numbers<[1], [0], [0], [1], [0, 0, 1, 1], [], []>, transpose_lhs_hint = false} : vector<32x1024xf32>, vector<1024x32xf32>, vector<32x32xf32> -> vector<32x32xf32>
    %jit3A_270 = arith.constant 0.000000e+00 : f32
    %broadcast_in_dim3A_271 = vector.broadcast %jit3A_270 : f32 to vector<32x32xf32>
    %select_n3A_272 = arith.select %eq3A, %dot_general3A_269, %broadcast_in_dim3A_271 : vector<32x32xi1>, vector<32x32xf32>
    %reduce_sum3A_273 = vector.shape_cast %select_n3A_272 : vector<32x32xf32> to vector<1x32x32xf32>
    %reduce_sum3A_274 = arith.constant dense<0.000000e+00> : vector<1xf32>
    %reduce_sum3A_275 = vector.multi_reduction <add>, %reduce_sum3A_273, %reduce_sum3A_274 [1, 2] : vector<1x32x32xf32> to vector<1xf32>
    %reduce_sum3A_276 = vector.shape_cast %reduce_sum3A_275 : vector<1xf32> to vector<1x1x1xf32>
    %reduce_sum3A_277 = vector.extract %reduce_sum3A_276[0, 0, 0] : f32 from vector<1x1x1xf32>
    %mul3A_278 = arith.mulf %get3A_264, %get3A_264 : vector<32x1024xf32>
    %reduce_sum3A_279 = vector.shape_cast %mul3A_278 : vector<32x1024xf32> to vector<1x32x1024xf32>
    %reduce_sum3A_280 = arith.constant dense<0.000000e+00> : vector<1xf32>
    %reduce_sum3A_281 = vector.multi_reduction <add>, %reduce_sum3A_279, %reduce_sum3A_280 [1, 2] : vector<1x32x1024xf32> to vector<1xf32>
    %reduce_sum3A_282 = vector.shape_cast %reduce_sum3A_281 : vector<1xf32> to vector<1x1x1xf32>
    %reduce_sum3A_283 = vector.extract %reduce_sum3A_282[0, 0, 0] : f32 from vector<1x1x1xf32>
    %add3A_284 = arith.addf %sub3A_242, %reduce_sum3A_283 : f32
    %mul3A_285 = arith.mulf %get3A_267, %get3A_267 : vector<1024x32xf32>
    %reduce_sum3A_286 = vector.shape_cast %mul3A_285 : vector<1024x32xf32> to vector<1x1024x32xf32>
    %reduce_sum3A_287 = arith.constant dense<0.000000e+00> : vector<1xf32>
    %reduce_sum3A_288 = vector.multi_reduction <add>, %reduce_sum3A_286, %reduce_sum3A_287 [1, 2] : vector<1x1024x32xf32> to vector<1xf32>
    %reduce_sum3A_289 = vector.shape_cast %reduce_sum3A_288 : vector<1xf32> to vector<1x1x1xf32>
    %reduce_sum3A_290 = vector.extract %reduce_sum3A_289[0, 0, 0] : f32 from vector<1x1x1xf32>
    %add3A_291 = arith.addf %add3A_284, %reduce_sum3A_290 : f32
    %mul3A_292 = arith.constant 2.000000e+00 : f32
    %mul3A_293 = arith.mulf %mul3A_292, %reduce_sum3A_277 : f32
    %sub3A_294 = arith.subf %add3A_291, %mul3A_293 : f32
    %dot_general3A_295 = arith.constant dense<0.000000e+00> : vector<3x1024xf32>
    %dot_general3A_296 = tpu.matmul %get3A_2, %get3A_267, %dot_general3A_295 {dimension_numbers = #tpu.dot_dimension_numbers<[1], [1], [0], [0], [0, 0, 1, 0], [], []>, transpose_lhs_hint = false} : vector<3x32xf32>, vector<1024x32xf32>, vector<3x1024xf32> -> vector<3x1024xf32>
    %add3A_297 = vector.broadcast %get3A_5 : vector<3x1xf32> to vector<3x1024xf32>
    %add3A_298 = arith.addf %dot_general3A_296, %add3A_297 : vector<3x1024xf32>
    %get3A_299 = arith.constant 5 : index
    %get3A_300 = arith.constant 0 : index
    %get3A_301 = arith.constant 0 : index
    %get3A_302 = vector.load %arg2[%get3A_299, %get3A_300, %get3A_301] : memref<8x3x1024xf32, #tpu.memory_space<vmem>>, vector<1x3x1024xf32>
    %get3A_303 = vector.shape_cast %get3A_302 : vector<1x3x1024xf32> to vector<3x1024xf32>
    %sub3A_304 = arith.subf %add3A_298, %get3A_303 : vector<3x1024xf32>
    %mul3A_305 = arith.mulf %sub3A_304, %sub3A_304 : vector<3x1024xf32>
    %reduce_sum3A_306 = vector.shape_cast %mul3A_305 : vector<3x1024xf32> to vector<1x3x1024xf32>
    %reduce_sum3A_307 = arith.constant dense<0.000000e+00> : vector<1xf32>
    %reduce_sum3A_308 = vector.multi_reduction <add>, %reduce_sum3A_306, %reduce_sum3A_307 [1, 2] : vector<1x3x1024xf32> to vector<1xf32>
    %reduce_sum3A_309 = vector.shape_cast %reduce_sum3A_308 : vector<1xf32> to vector<1x1x1xf32>
    %reduce_sum3A_310 = vector.extract %reduce_sum3A_309[0, 0, 0] : f32 from vector<1x1x1xf32>
    %add3A_311 = arith.addf %add3A_259, %reduce_sum3A_310 : f32
    %get3A_312 = arith.constant 6 : index
    %get3A_313 = arith.constant 0 : index
    %get3A_314 = arith.constant 0 : index
    %get3A_315 = vector.load %arg0[%get3A_312, %get3A_313, %get3A_314] : memref<8x32x1024xf32, #tpu.memory_space<vmem>>, vector<1x32x1024xf32>
    %get3A_316 = vector.shape_cast %get3A_315 : vector<1x32x1024xf32> to vector<32x1024xf32>
    %get3A_317 = arith.constant 6144 : index
    %get3A_318 = arith.constant 0 : index
    %get3A_319 = vector.load %arg1[%get3A_317, %get3A_318] : memref<8192x32xf32, #tpu.memory_space<vmem>>, vector<1024x32xf32>
    %dot_general3A_320 = arith.constant dense<0.000000e+00> : vector<32x32xf32>
    %dot_general3A_321 = tpu.matmul %get3A_316, %get3A_319, %dot_general3A_320 {dimension_numbers = #tpu.dot_dimension_numbers<[1], [0], [0], [1], [0, 0, 1, 1], [], []>, transpose_lhs_hint = false} : vector<32x1024xf32>, vector<1024x32xf32>, vector<32x32xf32> -> vector<32x32xf32>
    %jit3A_322 = arith.constant 0.000000e+00 : f32
    %broadcast_in_dim3A_323 = vector.broadcast %jit3A_322 : f32 to vector<32x32xf32>
    %select_n3A_324 = arith.select %eq3A, %dot_general3A_321, %broadcast_in_dim3A_323 : vector<32x32xi1>, vector<32x32xf32>
    %reduce_sum3A_325 = vector.shape_cast %select_n3A_324 : vector<32x32xf32> to vector<1x32x32xf32>
    %reduce_sum3A_326 = arith.constant dense<0.000000e+00> : vector<1xf32>
    %reduce_sum3A_327 = vector.multi_reduction <add>, %reduce_sum3A_325, %reduce_sum3A_326 [1, 2] : vector<1x32x32xf32> to vector<1xf32>
    %reduce_sum3A_328 = vector.shape_cast %reduce_sum3A_327 : vector<1xf32> to vector<1x1x1xf32>
    %reduce_sum3A_329 = vector.extract %reduce_sum3A_328[0, 0, 0] : f32 from vector<1x1x1xf32>
    %mul3A_330 = arith.mulf %get3A_316, %get3A_316 : vector<32x1024xf32>
    %reduce_sum3A_331 = vector.shape_cast %mul3A_330 : vector<32x1024xf32> to vector<1x32x1024xf32>
    %reduce_sum3A_332 = arith.constant dense<0.000000e+00> : vector<1xf32>
    %reduce_sum3A_333 = vector.multi_reduction <add>, %reduce_sum3A_331, %reduce_sum3A_332 [1, 2] : vector<1x32x1024xf32> to vector<1xf32>
    %reduce_sum3A_334 = vector.shape_cast %reduce_sum3A_333 : vector<1xf32> to vector<1x1x1xf32>
    %reduce_sum3A_335 = vector.extract %reduce_sum3A_334[0, 0, 0] : f32 from vector<1x1x1xf32>
    %add3A_336 = arith.addf %sub3A_294, %reduce_sum3A_335 : f32
    %mul3A_337 = arith.mulf %get3A_319, %get3A_319 : vector<1024x32xf32>
    %reduce_sum3A_338 = vector.shape_cast %mul3A_337 : vector<1024x32xf32> to vector<1x1024x32xf32>
    %reduce_sum3A_339 = arith.constant dense<0.000000e+00> : vector<1xf32>
    %reduce_sum3A_340 = vector.multi_reduction <add>, %reduce_sum3A_338, %reduce_sum3A_339 [1, 2] : vector<1x1024x32xf32> to vector<1xf32>
    %reduce_sum3A_341 = vector.shape_cast %reduce_sum3A_340 : vector<1xf32> to vector<1x1x1xf32>
    %reduce_sum3A_342 = vector.extract %reduce_sum3A_341[0, 0, 0] : f32 from vector<1x1x1xf32>
    %add3A_343 = arith.addf %add3A_336, %reduce_sum3A_342 : f32
    %mul3A_344 = arith.constant 2.000000e+00 : f32
    %mul3A_345 = arith.mulf %mul3A_344, %reduce_sum3A_329 : f32
    %sub3A_346 = arith.subf %add3A_343, %mul3A_345 : f32
    %dot_general3A_347 = arith.constant dense<0.000000e+00> : vector<3x1024xf32>
    %dot_general3A_348 = tpu.matmul %get3A_2, %get3A_319, %dot_general3A_347 {dimension_numbers = #tpu.dot_dimension_numbers<[1], [1], [0], [0], [0, 0, 1, 0], [], []>, transpose_lhs_hint = false} : vector<3x32xf32>, vector<1024x32xf32>, vector<3x1024xf32> -> vector<3x1024xf32>
    %add3A_349 = vector.broadcast %get3A_5 : vector<3x1xf32> to vector<3x1024xf32>
    %add3A_350 = arith.addf %dot_general3A_348, %add3A_349 : vector<3x1024xf32>
    %get3A_351 = arith.constant 6 : index
    %get3A_352 = arith.constant 0 : index
    %get3A_353 = arith.constant 0 : index
    %get3A_354 = vector.load %arg2[%get3A_351, %get3A_352, %get3A_353] : memref<8x3x1024xf32, #tpu.memory_space<vmem>>, vector<1x3x1024xf32>
    %get3A_355 = vector.shape_cast %get3A_354 : vector<1x3x1024xf32> to vector<3x1024xf32>
    %sub3A_356 = arith.subf %add3A_350, %get3A_355 : vector<3x1024xf32>
    %mul3A_357 = arith.mulf %sub3A_356, %sub3A_356 : vector<3x1024xf32>
    %reduce_sum3A_358 = vector.shape_cast %mul3A_357 : vector<3x1024xf32> to vector<1x3x1024xf32>
    %reduce_sum3A_359 = arith.constant dense<0.000000e+00> : vector<1xf32>
    %reduce_sum3A_360 = vector.multi_reduction <add>, %reduce_sum3A_358, %reduce_sum3A_359 [1, 2] : vector<1x3x1024xf32> to vector<1xf32>
    %reduce_sum3A_361 = vector.shape_cast %reduce_sum3A_360 : vector<1xf32> to vector<1x1x1xf32>
    %reduce_sum3A_362 = vector.extract %reduce_sum3A_361[0, 0, 0] : f32 from vector<1x1x1xf32>
    %add3A_363 = arith.addf %add3A_311, %reduce_sum3A_362 : f32
    %get3A_364 = arith.constant 7 : index
    %get3A_365 = arith.constant 0 : index
    %get3A_366 = arith.constant 0 : index
    %get3A_367 = vector.load %arg0[%get3A_364, %get3A_365, %get3A_366] : memref<8x32x1024xf32, #tpu.memory_space<vmem>>, vector<1x32x1024xf32>
    %get3A_368 = vector.shape_cast %get3A_367 : vector<1x32x1024xf32> to vector<32x1024xf32>
    %get3A_369 = arith.constant 7168 : index
    %get3A_370 = arith.constant 0 : index
    %get3A_371 = vector.load %arg1[%get3A_369, %get3A_370] : memref<8192x32xf32, #tpu.memory_space<vmem>>, vector<1024x32xf32>
    %dot_general3A_372 = arith.constant dense<0.000000e+00> : vector<32x32xf32>
    %dot_general3A_373 = tpu.matmul %get3A_368, %get3A_371, %dot_general3A_372 {dimension_numbers = #tpu.dot_dimension_numbers<[1], [0], [0], [1], [0, 0, 1, 1], [], []>, transpose_lhs_hint = false} : vector<32x1024xf32>, vector<1024x32xf32>, vector<32x32xf32> -> vector<32x32xf32>
    %jit3A_374 = arith.constant 0.000000e+00 : f32
    %broadcast_in_dim3A_375 = vector.broadcast %jit3A_374 : f32 to vector<32x32xf32>
    %select_n3A_376 = arith.select %eq3A, %dot_general3A_373, %broadcast_in_dim3A_375 : vector<32x32xi1>, vector<32x32xf32>
    %reduce_sum3A_377 = vector.shape_cast %select_n3A_376 : vector<32x32xf32> to vector<1x32x32xf32>
    %reduce_sum3A_378 = arith.constant dense<0.000000e+00> : vector<1xf32>
    %reduce_sum3A_379 = vector.multi_reduction <add>, %reduce_sum3A_377, %reduce_sum3A_378 [1, 2] : vector<1x32x32xf32> to vector<1xf32>
    %reduce_sum3A_380 = vector.shape_cast %reduce_sum3A_379 : vector<1xf32> to vector<1x1x1xf32>
    %reduce_sum3A_381 = vector.extract %reduce_sum3A_380[0, 0, 0] : f32 from vector<1x1x1xf32>
    %mul3A_382 = arith.mulf %get3A_368, %get3A_368 : vector<32x1024xf32>
    %reduce_sum3A_383 = vector.shape_cast %mul3A_382 : vector<32x1024xf32> to vector<1x32x1024xf32>
    %reduce_sum3A_384 = arith.constant dense<0.000000e+00> : vector<1xf32>
    %reduce_sum3A_385 = vector.multi_reduction <add>, %reduce_sum3A_383, %reduce_sum3A_384 [1, 2] : vector<1x32x1024xf32> to vector<1xf32>
    %reduce_sum3A_386 = vector.shape_cast %reduce_sum3A_385 : vector<1xf32> to vector<1x1x1xf32>
    %reduce_sum3A_387 = vector.extract %reduce_sum3A_386[0, 0, 0] : f32 from vector<1x1x1xf32>
    %add3A_388 = arith.addf %sub3A_346, %reduce_sum3A_387 : f32
    %mul3A_389 = arith.mulf %get3A_371, %get3A_371 : vector<1024x32xf32>
    %reduce_sum3A_390 = vector.shape_cast %mul3A_389 : vector<1024x32xf32> to vector<1x1024x32xf32>
    %reduce_sum3A_391 = arith.constant dense<0.000000e+00> : vector<1xf32>
    %reduce_sum3A_392 = vector.multi_reduction <add>, %reduce_sum3A_390, %reduce_sum3A_391 [1, 2] : vector<1x1024x32xf32> to vector<1xf32>
    %reduce_sum3A_393 = vector.shape_cast %reduce_sum3A_392 : vector<1xf32> to vector<1x1x1xf32>
    %reduce_sum3A_394 = vector.extract %reduce_sum3A_393[0, 0, 0] : f32 from vector<1x1x1xf32>
    %add3A_395 = arith.addf %add3A_388, %reduce_sum3A_394 : f32
    %mul3A_396 = arith.constant 2.000000e+00 : f32
    %mul3A_397 = arith.mulf %mul3A_396, %reduce_sum3A_381 : f32
    %sub3A_398 = arith.subf %add3A_395, %mul3A_397 : f32
    %dot_general3A_399 = arith.constant dense<0.000000e+00> : vector<3x1024xf32>
    %dot_general3A_400 = tpu.matmul %get3A_2, %get3A_371, %dot_general3A_399 {dimension_numbers = #tpu.dot_dimension_numbers<[1], [1], [0], [0], [0, 0, 1, 0], [], []>, transpose_lhs_hint = false} : vector<3x32xf32>, vector<1024x32xf32>, vector<3x1024xf32> -> vector<3x1024xf32>
    %add3A_401 = vector.broadcast %get3A_5 : vector<3x1xf32> to vector<3x1024xf32>
    %add3A_402 = arith.addf %dot_general3A_400, %add3A_401 : vector<3x1024xf32>
    %get3A_403 = arith.constant 7 : index
    %get3A_404 = arith.constant 0 : index
    %get3A_405 = arith.constant 0 : index
    %get3A_406 = vector.load %arg2[%get3A_403, %get3A_404, %get3A_405] : memref<8x3x1024xf32, #tpu.memory_space<vmem>>, vector<1x3x1024xf32>
    %get3A_407 = vector.shape_cast %get3A_406 : vector<1x3x1024xf32> to vector<3x1024xf32>
    %sub3A_408 = arith.subf %add3A_402, %get3A_407 : vector<3x1024xf32>
    %mul3A_409 = arith.mulf %sub3A_408, %sub3A_408 : vector<3x1024xf32>
    %reduce_sum3A_410 = vector.shape_cast %mul3A_409 : vector<3x1024xf32> to vector<1x3x1024xf32>
    %reduce_sum3A_411 = arith.constant dense<0.000000e+00> : vector<1xf32>
    %reduce_sum3A_412 = vector.multi_reduction <add>, %reduce_sum3A_410, %reduce_sum3A_411 [1, 2] : vector<1x3x1024xf32> to vector<1xf32>
    %reduce_sum3A_413 = vector.shape_cast %reduce_sum3A_412 : vector<1xf32> to vector<1x1x1xf32>
    %reduce_sum3A_414 = vector.extract %reduce_sum3A_413[0, 0, 0] : f32 from vector<1x1x1xf32>
    %add3A_415 = arith.addf %add3A_363, %reduce_sum3A_414 : f32
    %div3A = arith.constant 2.621440e+05 : f32
    %div3A_416 = arith.divf %sub3A_398, %div3A : f32
    %mul3A_417 = arith.constant 1.250000e+00 : f32
    %mul3A_418 = arith.mulf %mul3A_417, %div3A_416 : f32
    %div3A_419 = arith.constant 2.457600e+04 : f32
    %div3A_420 = arith.divf %add3A_415, %div3A_419 : f32
    %add3A_421 = arith.addf %mul3A_418, %div3A_420 : f32
    %swap3A = arith.constant 0 : index
    %swap3A_422 = arith.constant 0 : index
    %swap3A_423 = memref.load %arg5[%swap3A, %swap3A_422] : memref<1x1xf32, #tpu.memory_space<smem>>
    memref.store %add3A_421, %arg5[%swap3A, %swap3A_422] : memref<1x1xf32, #tpu.memory_space<smem>>
    %swap3A_424 = arith.constant 0 : index
    %swap3A_425 = arith.constant 0 : index
    %swap3A_426 = memref.load %arg6[%swap3A_424, %swap3A_425] : memref<1x1xf32, #tpu.memory_space<smem>>
    memref.store %mul3A_418, %arg6[%swap3A_424, %swap3A_425] : memref<1x1xf32, #tpu.memory_space<smem>>
    %swap3A_427 = arith.constant 0 : index
    %swap3A_428 = arith.constant 0 : index
    %swap3A_429 = memref.load %arg7[%swap3A_427, %swap3A_428] : memref<1x1xf32, #tpu.memory_space<smem>>
    memref.store %div3A_420, %arg7[%swap3A_427, %swap3A_428] : memref<1x1xf32, #tpu.memory_space<smem>>
    return
  }
}

</mosaic_0001>

<sc_bundles>
// kernel: kernel.5.cloned.1.call-start
scs
__scs_entry_jumppad:
0x0: {  	(pc) =	sbr.rel $0x88, $3  }
0x1: {  	(tag) =	ssettag $0x0;
	lr =	simm.s32 $0x1  }
0x2: {  	[smem:$0x3F9C] =	sst lr;
	_ =	strace $0xD0000000  }
0x3: {  	_ = 	snop  }
0x4: {  	_ = 	snop  }
0x5: {  	_ = 	snop  }
0x6: {  	_ = 	snop  }
0x7: {  	_ = 	snop  }
__scs_overlays_trampoline_lowered:
0x8: {  	[smem:$0x3FAB] =	sst s0  }
0x9: {  	[smem:$0x3FAC] =	sst s1  }
0xa: {  	[smem:$0x3FAD] =	sst s2  }
0xb: {  	[smem:$0x3FAE] =	sst s3  }
0xc: {  	[smem:$0x3FAF] =	sst s4  }
0xd: {  	[smem:$0x3FB0] =	sst s5  }
0xe: {  	[smem:$0x3FB1] =	sst s6  }
0xf: {  	[smem:$0x3FB2] =	sst s7  }
0x10: {  	[smem:$0x3FB3] =	sst s8  }
0x11: {  	[smem:$0x3FB4] =	sst s9;
	s0 =	simm.s32 @!p0 $0x0  }
0x12: {  	s1 =	sld [smem:$0x3F9A];
	s0 =	simm.s32 @p0 $0x1  }
0x13: {  	[smem:$0x3FB5] =	sst s0;
	s0 =	simm.s32 @!p1 $0x0  }
0x14: {  	s2 =	sld [smem:$0x3F99];
	s0 =	simm.s32 @p1 $0x1  }
0x15: {  	[smem:$0x3FB6] =	sst s0;
	s0 =	simm.s32 @!p2 $0x0  }
0x16: {  	s3 =	sld [smem:$0x3FDB];
	s0 =	simm.s32 @p2 $0x1  }
0x17: {  	s4 =	simm.s32 $0x1BF5;
	[smem:$0x3FB8] =	sst s0  }
0x18: {  	s0 =	sld [smem:$0x3F9B];
	_ =	swait.ge [sflag:s4], $0x0  }
0x19: {  	s7 =	sld [smem:$0x3F9C]  }
0x1a: {  	s8 =	sadd.s32 $0xFFFFE003, lr  }
0x1b: {  	s9 =	sadd.s32 $0xFFFFFEF7, lr;
	s5 =	simm.s32 $0xFFFFFFFF;
	p2 =	slt.u32 s8, $0xFFFFF086  }
0x1c: {  	p1 =	slt.u32 s9, $0xF7A;
	s5 =	simm.s32 @!p2 $0x0  }
0x1d: {  	s5 =	simm.s32 @p1 $0x1;
	p0 =	seq.s32 s7, s2  }
0x1e: {  	s7 =	smul.u32 @!p0 $0xF7A, s2;
	p2 =	seq.s32 @!p0 s5, $0x0  }
0x1f: {  	s9 =	smul.u32 $0xF7A, s1;
	s8 =	simm.s32 @!p0 $0x1BF5;
	p2 =	por !p2, p0  }
0x20: {  	[sflag:s8] =	ssyncset.s32 @!p0 $0xFFFFF086;
	s6 =	sadd.s32 @!p0 s3, s7;
	s7 =	simm.s32 @!p0 $0x108  }
0x21: {  	s3 =	sadd.s32 s3, s9;
	s6 =	sadd.s32 @!p0 $0x88, s6;
	s7 =	simm.s32 @p2 $0x1082  }
0x22: {  	[simem:s7], [sflag:s8] =	dma.local @!p0 [hbm:s6], $0xF7A  }
0x23: {  	s9 =	sor.u32 $0xD0000000, s2;
	s6 =	simm.s32 $0x108;
	_ =	swait.ge @!p0 [sflag:s8], $0x0  }
0x24: {  	s3 =	sadd.s32 $0x88, s3;
	s6 =	simm.s32 @!p1 $0x1082;
	[sflag:s4] =	ssyncset.s32 $0xFFFFF086  }
0x25: {  	[simem:s6], [sflag:s4] =	dma.local [hbm:s3], $0xF7A  }
0x26: {  	[smem:$0x3F9C] =	sst s1;
	(tag) =	ssettag s2;
	_ =	strace s9  }
0x27: {  	s1 =	sld [smem:$0x3FAC]  }
0x28: {  	s2 =	sld [smem:$0x3FAD]  }
0x29: {  	s4 =	sld [smem:$0x3FAF]  }
0x2a: {  	p0 =	seq.s32 s5, $0x0;
	s5 =	sld [smem:$0x3FB0]  }
0x2b: {  	s6 =	sld [smem:$0x3FB1]  }
0x2c: {  	s7 =	sld [smem:$0x3FB2]  }
0x2d: {  	s3 =	simm.s32 $0x108;
	s8 =	sld [smem:$0x3FB3]  }
0x2e: {  	s3 =	simm.s32 @!p0 $0x1082;
	s9 =	sld [smem:$0x3FB4]  }
0x2f: {  	lr =	sadd.s32 s0, s3;
	s0 =	sld [smem:$0x3FAB]  }
0x30: {  	s3 =	sld [smem:$0x3FAE]  }
0x31: {  	[smem:$0x3FB7] =	sst s10  }
0x32: {  	s10 =	sld [smem:$0x3FB5];
	_ =	sdelay $0x3  }
0x33: {  	p0 =	seq.s32 s10, $0x1;
	s10 =	sld [smem:$0x3FB7];
	_ =	sdelay $0x3  }
0x34: {  	[smem:$0x3FB7] =	sst s10  }
0x35: {  	s10 =	sld [smem:$0x3FB6];
	_ =	sdelay $0x3  }
0x36: {  	p1 =	seq.s32 s10, $0x1;
	s10 =	sld [smem:$0x3FB7];
	_ =	sdelay $0x3  }
0x37: {  	[smem:$0x3FB7] =	sst s10  }
0x38: {  	s10 =	sld [smem:$0x3FB8]  }
0x39: {  	_ = 	snop;
	(pc) =	sbr.ind lr, $3  }
0x3a: {  	_ = 	snop  }
0x3b: {  	_ = 	snop  }
0x3c: {  	p2 =	seq.s32 s10, $0x1;
	s10 =	sld [smem:$0x3FB7]  }
0x3d: {  	_ =	shalt  }
0x3e: {  	_ =	shalt  }
0x3f: {  	_ =	shalt  }
0x40: {  	_ =	shalt  }
0x41: {  	_ =	shalt  }
0x42: {  	_ =	shalt  }
0x43: {  	_ =	shalt  }
0x44: {  	_ =	shalt  }
0x45: {  	_ =	shalt  }
0x46: {  	_ =	shalt  }
0x47: {  	_ =	shalt  }
0x48: {  	_ =	shalt  }
0x49: {  	_ =	shalt  }
0x4a: {  	_ =	shalt  }
0x4b: {  	_ =	shalt  }
0x4c: {  	_ =	shalt  }
0x4d: {  	_ =	shalt  }
0x4e: {  	_ =	shalt  }
0x4f: {  	_ =	shalt  }
0x50: {  	_ =	shalt  }
0x51: {  	_ =	shalt  }
0x52: {  	_ =	shalt  }
0x53: {  	_ =	shalt  }
0x54: {  	_ =	shalt  }
0x55: {  	_ =	shalt  }
0x56: {  	_ =	shalt  }
0x57: {  	_ =	shalt  }
0x58: {  	_ =	shalt  }
0x59: {  	_ =	shalt  }
0x5a: {  	_ =	shalt  }
0x5b: {  	_ =	shalt  }
0x5c: {  	_ =	shalt  }
0x5d: {  	_ =	shalt  }
0x5e: {  	_ =	shalt  }
0x5f: {  	_ =	shalt  }
0x60: {  	_ =	shalt  }
0x61: {  	_ =	shalt  }
0x62: {  	_ =	shalt  }
0x63: {  	_ =	shalt  }
0x64: {  	_ =	shalt  }
0x65: {  	_ =	shalt  }
0x66: {  	_ =	shalt  }
0x67: {  	_ =	shalt  }
0x68: {  	_ =	shalt  }
0x69: {  	_ =	shalt  }
0x6a: {  	_ =	shalt  }
0x6b: {  	_ =	shalt  }
0x6c: {  	_ =	shalt  }
0x6d: {  	_ =	shalt  }
0x6e: {  	_ =	shalt  }
0x6f: {  	_ =	shalt  }
0x70: {  	_ =	shalt  }
0x71: {  	_ =	shalt  }
0x72: {  	_ =	shalt  }
0x73: {  	_ =	shalt  }
0x74: {  	_ =	shalt  }
0x75: {  	_ =	shalt  }
0x76: {  	_ =	shalt  }
0x77: {  	_ =	shalt  }
0x78: {  	_ =	shalt  }
0x79: {  	_ =	shalt  }
0x7a: {  	_ =	shalt  }
0x7b: {  	_ =	shalt  }
0x7c: {  	_ =	shalt  }
0x7d: {  	_ =	shalt  }
0x7e: {  	_ =	shalt  }
0x7f: {  	_ =	shalt  }
0x80: {  	_ =	shalt  }
0x81: {  	_ =	shalt  }
0x82: {  	_ =	shalt  }
0x83: {  	_ =	shalt  }
0x84: {  	_ =	shalt  }
0x85: {  	_ =	shalt  }
0x86: {  	_ =	shalt  }
0x87: {  	_ =	shalt  }
.Lfunc_end0:
.L_simem_size_0:
called_computation_lowered:
.L_overlay_start_0:
0x88: {  	s2 =	sld [smem:$0x3FD9]  }
0x89: {  	s3 =	sld [smem:$0x3FFE];
	_ =	sdelay $0x1  }
0x8a: {  	s1 =	srdreg.scid  }
0x8b: {  	s0 =	sand.u32 $0x1, s1  }
0x8c: {  	s16 =	sshll.u32 s0, $0xA;
	s2 =	sadd.s32 s3, s2  }
0x8d: {  	s2 =	sadd.s32 s2, s16  }
0x8e: {  	[smem:$0x3FC3] =	sst s2  }
0x8f: {  	_ = 	snop  }
0x90: {  	(tm) =	ssettm $0x1  }
0x91: {  	s17 =	sld [smem:$0x3FFB];
	_ =	sdelay $0x3  }
0x92: {  	_ =	strace s17  }
0x93: {  	s2 =	sld [smem:$0x3FFC];
	_ =	sdelay $0x3  }
0x94: {  	_ =	strace s2  }
0x95: {  	s2 =	sld [smem:$0x3FFD];
	_ =	sdelay $0x3  }
0x96: {  	_ =	strace s2  }
0x97: {  	_ =	strace $0x8FFFFFFF  }
0x98: {  	s18 =	sld [smem:$0x3FDB];
	_ =	sdelay $0x1  }
0x99: {  	s19 =	simm.s32 $_scs_section_size  }
0x9a: {  	s4 =	simm.s32 $_size__tile_overlayer_lowered;
	s5 =	simm.s32 $_tile_overlayer_lowered  }
0x9b: {  	s22 =	simm.s32 $0x1BFF;
	s21 =	sshll.u32 s5, $0x1;
	s2 =	sadd.s32 s19, s18  }
0x9c: {  	s6 =	simm.s32 $0x0;
	s20 =	sshll.u32 s4, $0x1;
	s4 =	sadd.s32 s21, s2  }
0x9d: {  	[timem:s6], [sflag:s22] =	dma.local [hbm:s4], s20  }
0x9e: {  	_ =	swait.ge [sflag:s22], s20  }
0x9f: {  	s3 =	ssub.s32 $0x0, s20;
	[sflag:s22] =	ssyncset.done $0x0  }
0xa0: {  	[sflag:s22] =	ssyncadd.s32 s3;
	_ =	sdelay $0x1  }
0xa1: {  	s23 =	simm.s32 $0x1B8B  }
0xa2: {  	_ =	swait.ge [sflag:s23], $0x1  }
0xa3: {  	[sflag:s23] =	ssyncset.done $0x0  }
0xa4: {  	s25 =	simm.s32 $0x1B8E;
	s24 =	sld [smem:$0x3FFE];
	[sflag:s23] =	ssyncadd.s32 $0xFFFFFFFF  }
0xa5: {  	s26 =	simm.s32 $execute0_lowered;
	[smem:$0x3FD2] =	sst s25  }
0xa6: {  	s4 =	sshll.u32 s26, $0x1;
	_ =	strace $0x80000046;
	[dreg:$0x1] =	wrdreg $0xFFFFFFFF  }
0xa7: {  	s28 =	simm.s32 $_size_execute0_lowered;
	s2 =	sadd.s32 s2, s4;
	[dreg:$0x0] =	wrdreg $0x0  }
0xa8: {  	s4 =	sshll.u32 s28, $0x1;
	[dreg:$0x2] =	wrdreg s2  }
0xa9: {  	[dreg:$0x3] =	wrdreg s4  }
0xaa: {  	[dreg:$0x4] =	wrdreg $0xC0  }
0xab: {  	_ =	task [dreg:s6], $0x5FFFF  }
0xac: {  	[dreg:$0x1] =	wrdreg $0xFFFFFFFF  }
0xad: {  	[dreg:$0x0] =	wrdreg $0x60  }
0xae: {  	[dreg:$0x2] =	wrdreg s24  }
0xaf: {  	[dreg:$0x3] =	wrdreg $0x9  }
0xb0: {  	_ =	task.clear_ibuf [dreg:s6], $0x4FFFF;
	_ =	strace $0x90000046  }
0xb1: {  	s29 =	simm.s32 $0x9;
	_ =	strace $0x80000048  }
0xb2: {  	_ =	swait.ge [sflag:s29], $0x1  }
0xb3: {  	[sflag:s29] =	ssyncadd.s32 $0xFFFFFFFF  }
0xb4: {  	_ =	strace $0x90000048  }
0xb5: {  	_ =	sfence  }
0xb6: {  	s30 =	sld [smem:$0x0];
	_ =	sdelay $0x2  }
0xb7: {  	s31 =	sshll.u32 s1, $0xD;
	s1 =	sshrl.u32 s1, $0x2  }
0xb8: {  	s3 =	sand.u32 $0x4000, s31;
	s1 =	sadd.s32 s1, s30  }
0xb9: {  	s0 =	sor.u32 s3, s0;
	s1 =	sshll.u32 s1, $0x11  }
0xba: {  	s0 =	sor.u32 s1, s0  }
0xbb: {  	s0 =	sadd.s32 $0x8F2B, s0  }
0xbc: {  	[sflag:s0] =	ssyncadd.remote.s32 $0x1  }
0xbd: {  	_ =	sfence.sel $0xFFFF  }
0xbe: {  	[dreg:$0x0] =	wrdreg $0xFFFFFFFF;
	(pc) =	sbr.abs _section_cstart, $3  }
0xbf: {  	[dreg:$0x1] =	wrdreg $0xFFFFFFFF  }
0xc0: {  	_ =	task.clear_ibuf [dreg:s6], $0x2FFFF;
	_ =	strace $0x9FFFFFFF  }
0xc1: {  	(tm) =	ssettm $0x7FFFFFFF  }
tec
execute0_lowered:
.L_overlay_start_1:
0x0: {  	(tag) =	ssettag $0x1  }
0x1: {  	s1 =	srdreg.scid  }
0x2: {  	s0 =	stileid.u32;
	s6 =	sand.u32 $0x1, s1  }
0x3: {  	s8 =	rddreg [dreg:$0x0];
	s30 =	sshll.u32 s0, $0x9;
	s2 =	sshll.u32 s6, $0x8  }
0x4: {  	s7 =	simm.s32 $0x1;
	s1 =	rddreg [dreg:$0x1];
	s9 =	sor.u32 s2, s30  }
0x5: {  	s5 =	sadd.s32 $0x1000, s8;
	s2 =	simm.s32 $0x0;
	s3 =	sshrl.u32 s9, $0x3  }
0x6: {  	s10 =	ssub.s32 $0x2, s6;
	[smem:$0x7FF] =	sst s2;
	s3 =	sadd.s32 s3, s8  }
0x7: {  	_ =	strace $0x80000047;
	s4 =	sadd.s32 $0x9000, s3;
	s3 =	simm.s32 $0x2  }
0x8: {  	[tilespmem:s2], [sflag:$0x2] =	stream.linear.gather [hbm4b:s4+s2], $0x100, $0x38;
	[tilespmem:$0x2100] =	vst v63  }
0x9: {  	s6 =	simm.s32 $0x100;
	s11 =	sshrl.u32 s10, $0x1;
	_ =	swait.ge [sflag:s3], $0x100  }
0xa: {  	s9 =	sshll.u32 s9, $0x2;
	s31 =	ssub.s32 s10, s11;
	[sflag:s3] =	ssyncset.done $0x0  }
0xb: {  	s8 =	sadd.s32 s9, s8;
	s9 =	smax.u32 s31, $0x1;
	[sflag:s3] =	ssyncadd.s32 $0xFFFFFF00  }
0xc: {  	[tilespmem:s6], [sflag:$0x1] =	stream.indirect.gather [hbm4b:s5+s6], $0x20, s2, s6, $0xb8;
	[tilespmem:$0x2100] =	vst v63  }
0xd: {  	p0 =	sne.s32 s9, $0x1;
	_ =	swait.ge [sflag:s7], $0x2000  }
.Ltmp0:
0xe: {  	[sflag:s7] =	ssyncset.done $0x0;
	(pc) =	sbr.rel @!p0 .LBB2_2-.Ltmp0, $4  }
0xf: {  	s8 =	sadd.s32 $0x9400, s8;
	[sflag:s7] =	ssyncadd.s32 $0xFFFFE000  }
0x10: {  	[hbm4b:s8+s2] =	stream.linear.scatter [tilespmem:s6], [sflag:$0x2], $0x2000, $0x38;
	[tilespmem:$0x2100] =	vst v63  }
0x11: {  	_ =	swait.ge [sflag:s3], $0x2000  }
0x12: {  	s9 =	sadd.s32 $0xFFFFFFFF, s9;
	[sflag:s3] =	ssyncset.done $0x0  }
.LBB2_1:
0x13: {  	p0 =	sne.s32 s9, $0x1;
	s9 =	sadd.s32 $0xFFFFFFFF, s9;
	[sflag:s3] =	ssyncadd.s32 $0xFFFFE000  }
0x14: {  	[tilespmem:s2], [sflag:$0x2] =	stream.linear.gather [hbm4b:s4+s2], $0x100, $0x38;
	[tilespmem:$0x2100] =	vst v63  }
0x15: {  	_ =	swait.ge [sflag:s3], $0x100  }
0x16: {  	[sflag:s3] =	ssyncset.done $0x0  }
0x17: {  	[sflag:s3] =	ssyncadd.s32 $0xFFFFFF00  }
0x18: {  	[tilespmem:s6], [sflag:$0x1] =	stream.indirect.gather [hbm4b:s5+s6], $0x20, s2, s6, $0xb8;
	[tilespmem:$0x2100] =	vst v63  }
0x19: {  	_ =	swait.ge [sflag:s7], $0x2000  }
.Ltmp1:
0x1a: {  	[sflag:s7] =	ssyncset.done $0x0;
	(pc) =	sbr.rel @p0 .LBB2_1-.Ltmp1, $4  }
0x1b: {  	[sflag:s7] =	ssyncadd.s32 $0xFFFFE000  }
0x1c: {  	[hbm4b:s8+s2] =	stream.linear.scatter [tilespmem:s6], [sflag:$0x2], $0x2000, $0x38;
	[tilespmem:$0x2100] =	vst v63  }
0x1d: {  	_ =	swait.ge [sflag:s3], $0x2000  }
0x1e: {  	[sflag:s3] =	ssyncset.done $0x0  }
.LBB2_2:
0x1f: {  	[sflag:s3] =	ssyncadd.s32 $0xFFFFE000  }
0x20: {  	_ =	sfence.sel $0x180000  }
0x21: {  	[bflag:$0x0] =	sbarrier.arrive $0xFFFF  }
0x22: {  	p0 =	sne.s32 s0, $0x0;
	_ =	strace $0x90000047  }
0x23: {  	s0 =	sadd.s32 @!p0 $0x100000, s1;
	[bflag:$0x2] =	sbarrier.arrive $0xFFFF  }
0x24: {  	[sflag:s0] =	ssyncadd.tile.s32 @!p0 $0x1;
	_ =	shalt  }
.Lfunc_end2:
_tile_overlayer_lowered:
.L_overlay_start_2:
0x25: {  	(tag) =	ssettag $0x2  }
0x26: {  	s0 =	rddreg [dreg:$0x0];
	s2 =	stileid.u32  }
0x27: {  	s1 =	rddreg [dreg:$0x1];
	p0 =	sne.s32 s2, $0x0  }
0x28: {  	s3 =	rddreg [dreg:$0x2];
	[bflag:$0x3] =	sbarrier.arrive $0xFFFF;
	s2 =	simm.s32 @!p0 $0x1C02  }
0x29: {  	[timem:s3], [sflag:s2] =	dma.local @!p0 [hbm:s0], s1  }
0x2a: {  	s0 =	simm.s32 @!p0 $0x2  }
0x2b: {  	_ =	swait.ge @!p0 [sflag:s0], s1  }
0x2c: {  	s1 =	ssub.s32 @!p0 $0x0, s1;
	[sflag:s0] =	ssyncset.done @!p0 $0x0  }
0x2d: {  	[sflag:s0] =	ssyncadd.s32 @!p0 s1  }
0x2e: {  	[bflag:$0x3] =	sbarrier.arrive $0xFFFF  }
0x2f: {  	_ =	shalt  }

</sc_bundles>
